<compile_context>
chip_gen: v7x
topology: tpu7x:2x2x1
jax: 0.10.2.dev20260603
libtpu: 0.0.44.dev20260713+nightly
codegen_flags: <defaults>
</compile_context>

<pallas_src>
import functools

import jax
import jax.numpy as jnp
from jax import lax
from jax.experimental import pallas as pl
from jax.experimental.pallas import tpu as pltpu
from jax.experimental.pallas import tpu_sc as plsc


_R = 16


def kernel(x, pe_table):
    B, S, D = x.shape
    N = B * S
    xf = x.reshape(N, D)
    info = plsc.get_sparse_core_info()
    nc, ns = info.num_cores, info.num_subcores
    nw = nc * ns
    rows = N // nw
    nchunk = rows // _R
    nvec = D // 16
    mesh = plsc.VectorSubcoreMesh(core_axis_name="c", subcore_axis_name="s")

    @functools.partial(
        pl.kernel,
        mesh=mesh,
        out_type=jax.ShapeDtypeStruct((N, D), jnp.float32),
        scratch_types=[
            pltpu.VMEM((_R, D), jnp.float32),
            pltpu.VMEM((_R, D), jnp.float32),
            pltpu.VMEM((_R, D), jnp.float32),
        ],
    )
    def sc_add(x_hbm, pe_hbm, out_hbm, xv, pev, ov):
        wid = lax.axis_index("s") * nc + lax.axis_index("c")
        base = wid * rows
        pe_base = base % S

        def chunk(i, carry):
            row0 = base + i * _R
            prow0 = pe_base + i * _R
            pltpu.sync_copy(x_hbm.at[pl.ds(row0, _R)], xv)
            pltpu.sync_copy(pe_hbm.at[pl.ds(prow0, _R)], pev)

            def row(r, c):
                def vec(j, cc):
                    o = j * 16
                    ov[r, pl.ds(o, 16)] = xv[r, pl.ds(o, 16)] + pev[r, pl.ds(o, 16)]
                    return cc

                lax.fori_loop(0, nvec, vec, 0)
                return c

            lax.fori_loop(0, _R, row, 0)
            pltpu.sync_copy(ov, out_hbm.at[pl.ds(row0, _R)])
            return carry

        lax.fori_loop(0, nchunk, chunk, 0)

    out = sc_add(xf, pe_table)
    return out.reshape(B, S, D)

# --- scband reference (transcript-rebuilt; emitter-appended) ---
"""Pipeline reference for scband-positional-encoding-24592982737008 (READ-ONLY COPY).

The authoritative reference and input builder live on the scoring server;
editing this copy changes nothing except your own understanding.
"""

import jax, jax.numpy as jnp
import numpy as np

D_MODEL = 1024
MAX_LEN = 2048
BATCH = 4
SEQ_LEN = 2048

def setup_inputs(seed: int = 0) -> dict:
    key = jax.random.key(seed)
    k1, k2 = jax.random.split(key)
    x = jax.random.normal(k1, (BATCH, SEQ_LEN, D_MODEL), dtype=jnp.float32)
    # learned absolute positional embedding table (nn.Embedding weight)
    pe_table = jax.random.normal(k2, (MAX_LEN, D_MODEL), dtype=jnp.float32) * 0.02
    return {"x": x, "pe_table": pe_table}

def reference(x, pe_table):
    # mode == 'absolute': positions = arange(max_len)[:seq_len]; pe(positions); x + pos_embed
    seq_len = x.shape[1]
    positions = jnp.arange(seq_len)[None, :]  # [1, seq]
    pos_embed = jnp.take(pe_table, positions, axis=0)  # [1, seq, d_model] embedding gather
    return x + pos_embed

if __name__ == "__main__":
    import jax
    _d = setup_inputs()
    print(jax.jit(kernel)(*tuple(_d.values())))

</pallas_src>

<mosaic_0001>
#map = affine_map<(d0, d1) -> (0, 0)>
module attributes {stable_mosaic.version = 14 : i64} {
  func.func @sc_add(%arg0: i32, %arg1: i32, %arg2: memref<8192x1024xf32, #tpu.memory_space<hbm>>, %arg3: memref<2048x1024xf32, #tpu.memory_space<hbm>>, %arg4: memref<8192x1024xf32, #tpu.memory_space<hbm>>, %arg5: memref<16x1024xf32, #tpu.memory_space<vmem>>, %arg6: memref<16x1024xf32, #tpu.memory_space<vmem>>, %arg7: memref<16x1024xf32, #tpu.memory_space<vmem>>) attributes {dimension_semantics = [#tpu.dimension_semantics<core_parallel>, #tpu.dimension_semantics<subcore_parallel>], iteration_bounds = array<i64: 2, 16>, scalar_prefetch = 0 : i64, scratch_operands = 3 : i64, tpu.core_type = #tpu.core_type<sc_vector_subcore>, window_params = [{transform_indices = #map}, {transform_indices = #map}, {transform_indices = #map}]} {
    %mul3A = arith.constant 2 : i32
    %mul3A_0 = arith.muli %arg1, %mul3A : i32
    %add3A = arith.addi %mul3A_0, %arg0 : i32
    %mul3A_1 = arith.constant 256 : i32
    %mul3A_2 = arith.muli %add3A, %mul3A_1 : i32
    %jit3A = arith.constant 2048 : i32
    %eq3A = arith.constant 0 : i32
    %eq3A_3 = arith.cmpi eq, %jit3A, %eq3A : i32
    %jit3A_4 = arith.constant 1 : i32
    %select_n3A = arith.select %eq3A_3, %jit3A_4, %jit3A : i32
    %rem3A = arith.remsi %mul3A_2, %select_n3A : i32
    %ne3A = arith.constant 0 : i32
    %ne3A_5 = arith.cmpi ne, %rem3A, %ne3A : i32
    %lt3A = arith.constant 0 : i32
    %lt3A_6 = arith.cmpi slt, %rem3A, %lt3A : i32
    %lt3A_7 = arith.constant 0 : i32
    %lt3A_8 = arith.cmpi slt, %select_n3A, %lt3A_7 : i32
    %ne3A_9 = arith.xori %lt3A_6, %lt3A_8 : i1
    %and3A = arith.andi %ne3A_9, %ne3A_5 : i1
    %add3A_10 = arith.addi %rem3A, %select_n3A : i32
    %select_n3A_11 = arith.select %and3A, %add3A_10, %rem3A : i32
    %scan3A = arith.constant 0 : i32
    %scan3A_12 = arith.constant 0 : i32
    %scan3A_13 = arith.constant 16 : i32
    %scan3A_14 = arith.addi %scan3A_12, %scan3A_13 : i32
    %scan3A_15 = arith.constant 1 : i32
    scf.for %scan3A_17 = %scan3A_12 to %scan3A_14 step %scan3A_15  : i32 {
      %mul3A_18 = arith.constant 16 : i32
      %mul3A_19 = arith.muli %scan3A_17, %mul3A_18 : i32
      %add3A_20 = arith.addi %mul3A_2, %mul3A_19 : i32
      %mul3A_21 = arith.constant 16 : i32
      %mul3A_22 = arith.muli %scan3A_17, %mul3A_21 : i32
      %add3A_23 = arith.addi %select_n3A_11, %mul3A_22 : i32
      "tpu.region"() ({
        %run_scoped3A = tpu.sem_alloc : memref<!tpu.dma_semaphore, #tpu.memory_space<semaphore_mem>>
        %dma_start3A = arith.constant 0 : i32
        %dma_start3A_30 = tpu.memref_slice %arg2[%add3A_20, %dma_start3A] : memref<8192x1024xf32, #tpu.memory_space<hbm>> -> memref<16x1024xf32, #tpu.memory_space<hbm>>
        %dma_start3A_31 = arith.constant 0 : i32
        %dma_start3A_32 = tpu.memref_slice %arg2[%add3A_20, %dma_start3A_31] : memref<8192x1024xf32, #tpu.memory_space<hbm>> -> memref<16x1024xf32, #tpu.memory_space<hbm>>
        tpu.enqueue_dma source(%dma_start3A_32 : memref<16x1024xf32, #tpu.memory_space<hbm>>) target(%arg5 : memref<16x1024xf32, #tpu.memory_space<vmem>>) target_semaphore(%run_scoped3A : memref<!tpu.dma_semaphore, #tpu.memory_space<semaphore_mem>>)
        %dma_wait3A = arith.constant 0 : i32
        %dma_wait3A_33 = tpu.memref_slice %arg2[%add3A_20, %dma_wait3A] : memref<8192x1024xf32, #tpu.memory_space<hbm>> -> memref<16x1024xf32, #tpu.memory_space<hbm>>
        %dma_wait3A_34 = arith.constant 0 : i32
        %dma_wait3A_35 = tpu.memref_slice %arg2[%add3A_20, %dma_wait3A_34] : memref<8192x1024xf32, #tpu.memory_space<hbm>> -> memref<16x1024xf32, #tpu.memory_space<hbm>>
        tpu.wait_dma2 semaphore(%run_scoped3A : memref<!tpu.dma_semaphore, #tpu.memory_space<semaphore_mem>>) src(%dma_wait3A_35 : memref<16x1024xf32, #tpu.memory_space<hbm>>) dst(%arg5 : memref<16x1024xf32, #tpu.memory_space<vmem>>)
        tpu.yield
      }) : () -> ()
      "tpu.region"() ({
        %run_scoped3A = tpu.sem_alloc : memref<!tpu.dma_semaphore, #tpu.memory_space<semaphore_mem>>
        %dma_start3A = arith.constant 0 : i32
        %dma_start3A_30 = tpu.memref_slice %arg3[%add3A_23, %dma_start3A] : memref<2048x1024xf32, #tpu.memory_space<hbm>> -> memref<16x1024xf32, #tpu.memory_space<hbm>>
        %dma_start3A_31 = arith.constant 0 : i32
        %dma_start3A_32 = tpu.memref_slice %arg3[%add3A_23, %dma_start3A_31] : memref<2048x1024xf32, #tpu.memory_space<hbm>> -> memref<16x1024xf32, #tpu.memory_space<hbm>>
        tpu.enqueue_dma source(%dma_start3A_32 : memref<16x1024xf32, #tpu.memory_space<hbm>>) target(%arg6 : memref<16x1024xf32, #tpu.memory_space<vmem>>) target_semaphore(%run_scoped3A : memref<!tpu.dma_semaphore, #tpu.memory_space<semaphore_mem>>)
        %dma_wait3A = arith.constant 0 : i32
        %dma_wait3A_33 = tpu.memref_slice %arg3[%add3A_23, %dma_wait3A] : memref<2048x1024xf32, #tpu.memory_space<hbm>> -> memref<16x1024xf32, #tpu.memory_space<hbm>>
        %dma_wait3A_34 = arith.constant 0 : i32
        %dma_wait3A_35 = tpu.memref_slice %arg3[%add3A_23, %dma_wait3A_34] : memref<2048x1024xf32, #tpu.memory_space<hbm>> -> memref<16x1024xf32, #tpu.memory_space<hbm>>
        tpu.wait_dma2 semaphore(%run_scoped3A : memref<!tpu.dma_semaphore, #tpu.memory_space<semaphore_mem>>) src(%dma_wait3A_35 : memref<16x1024xf32, #tpu.memory_space<hbm>>) dst(%arg6 : memref<16x1024xf32, #tpu.memory_space<vmem>>)
        tpu.yield
      }) : () -> ()
      %scan3A_24 = arith.constant 0 : i32
      %scan3A_25 = arith.constant 0 : i32
      %scan3A_26 = arith.constant 16 : i32
      %scan3A_27 = arith.addi %scan3A_25, %scan3A_26 : i32
      %scan3A_28 = arith.constant 1 : i32
      scf.for %scan3A_30 = %scan3A_25 to %scan3A_27 step %scan3A_28  : i32 {
        %scan3A_31 = arith.constant 0 : i32
        %scan3A_32 = arith.constant 0 : i32
        %scan3A_33 = arith.constant 64 : i32
        %scan3A_34 = arith.addi %scan3A_32, %scan3A_33 : i32
        %scan3A_35 = arith.constant 1 : i32
        scf.for %scan3A_37 = %scan3A_32 to %scan3A_34 step %scan3A_35  : i32 {
          %mul3A_38 = arith.constant 16 : i32
          %mul3A_39 = arith.muli %scan3A_37, %mul3A_38 : i32
          %get3A = arith.index_cast %scan3A_30 : i32 to index
          %get3A_40 = arith.index_cast %mul3A_39 : i32 to index
          %get3A_41 = tpu.vector_load %arg5[%get3A, %get3A_40] {strides = array<i32>} : memref<16x1024xf32, #tpu.memory_space<vmem>>, vector<1x16xf32>,
          %get3A_42 = vector.shape_cast %get3A_41 : vector<1x16xf32> to vector<16xf32>
          %get3A_43 = arith.index_cast %scan3A_30 : i32 to index
          %get3A_44 = arith.index_cast %mul3A_39 : i32 to index
          %get3A_45 = tpu.vector_load %arg6[%get3A_43, %get3A_44] {strides = array<i32>} : memref<16x1024xf32, #tpu.memory_space<vmem>>, vector<1x16xf32>,
          %get3A_46 = vector.shape_cast %get3A_45 : vector<1x16xf32> to vector<16xf32>
          %add3A_47 = arith.addf %get3A_42, %get3A_46 : vector<16xf32>
          %swap3A = arith.index_cast %scan3A_30 : i32 to index
          %swap3A_48 = arith.index_cast %mul3A_39 : i32 to index
          %swap3A_49 = tpu.vector_load %arg7[%swap3A, %swap3A_48] {strides = array<i32>} : memref<16x1024xf32, #tpu.memory_space<vmem>>, vector<1x16xf32>,
          %swap3A_50 = vector.shape_cast %swap3A_49 : vector<1x16xf32> to vector<16xf32>
          %swap3A_51 = vector.shape_cast %add3A_47 : vector<16xf32> to vector<1x16xf32>
          tpu.vector_store %arg7[%swap3A, %swap3A_48], %swap3A_51 {strides = array<i32>} : memref<16x1024xf32, #tpu.memory_space<vmem>>, vector<1x16xf32>,
        }
        %scan3A_36 = arith.constant 64 : i32
      }
      %scan3A_29 = arith.constant 16 : i32
      "tpu.region"() ({
        %run_scoped3A = tpu.sem_alloc : memref<!tpu.dma_semaphore, #tpu.memory_space<semaphore_mem>>
        %dma_start3A = arith.constant 0 : i32
        %dma_start3A_30 = tpu.memref_slice %arg4[%add3A_20, %dma_start3A] : memref<8192x1024xf32, #tpu.memory_space<hbm>> -> memref<16x1024xf32, #tpu.memory_space<hbm>>
        %dma_start3A_31 = arith.constant 0 : i32
        %dma_start3A_32 = tpu.memref_slice %arg4[%add3A_20, %dma_start3A_31] : memref<8192x1024xf32, #tpu.memory_space<hbm>> -> memref<16x1024xf32, #tpu.memory_space<hbm>>
        tpu.enqueue_dma source(%arg7 : memref<16x1024xf32, #tpu.memory_space<vmem>>) target(%dma_start3A_32 : memref<16x1024xf32, #tpu.memory_space<hbm>>) target_semaphore(%run_scoped3A : memref<!tpu.dma_semaphore, #tpu.memory_space<semaphore_mem>>)
        %dma_wait3A = arith.constant 0 : i32
        %dma_wait3A_33 = tpu.memref_slice %arg4[%add3A_20, %dma_wait3A] : memref<8192x1024xf32, #tpu.memory_space<hbm>> -> memref<16x1024xf32, #tpu.memory_space<hbm>>
        %dma_wait3A_34 = arith.constant 0 : i32
        %dma_wait3A_35 = tpu.memref_slice %arg4[%add3A_20, %dma_wait3A_34] : memref<8192x1024xf32, #tpu.memory_space<hbm>> -> memref<16x1024xf32, #tpu.memory_space<hbm>>
        tpu.wait_dma2 semaphore(%run_scoped3A : memref<!tpu.dma_semaphore, #tpu.memory_space<semaphore_mem>>) src(%arg7 : memref<16x1024xf32, #tpu.memory_space<vmem>>) dst(%dma_wait3A_35 : memref<16x1024xf32, #tpu.memory_space<hbm>>)
        tpu.yield
      }) : () -> ()
    }
    %scan3A_16 = arith.constant 16 : i32
    return
  }
}

</mosaic_0001>

<sc_bundles>
// kernel: kernel.3.cloned.1.call-start
scs
__scs_entry_jumppad:
0x0: {  	(pc) =	sbr.rel $0x88, $3  }
0x1: {  	(tag) =	ssettag $0x0;
	lr =	simm.s32 $0x1  }
0x2: {  	[smem:$0x3F9F] =	sst lr;
	_ =	strace $0xD0000000  }
0x3: {  	_ = 	snop  }
0x4: {  	_ = 	snop  }
0x5: {  	_ = 	snop  }
0x6: {  	_ = 	snop  }
0x7: {  	_ = 	snop  }
__scs_overlays_trampoline_lowered:
0x8: {  	[smem:$0x3FAE] =	sst s0  }
0x9: {  	[smem:$0x3FAF] =	sst s1  }
0xa: {  	[smem:$0x3FB0] =	sst s2  }
0xb: {  	[smem:$0x3FB1] =	sst s3  }
0xc: {  	[smem:$0x3FB2] =	sst s4  }
0xd: {  	[smem:$0x3FB3] =	sst s5  }
0xe: {  	[smem:$0x3FB4] =	sst s6  }
0xf: {  	[smem:$0x3FB5] =	sst s7  }
0x10: {  	[smem:$0x3FB6] =	sst s8  }
0x11: {  	[smem:$0x3FB7] =	sst s9;
	s0 =	simm.s32 @!p0 $0x0  }
0x12: {  	s1 =	sld [smem:$0x3F9D];
	s0 =	simm.s32 @p0 $0x1  }
0x13: {  	[smem:$0x3FB8] =	sst s0;
	s0 =	simm.s32 @!p1 $0x0  }
0x14: {  	s2 =	sld [smem:$0x3F9C];
	s0 =	simm.s32 @p1 $0x1  }
0x15: {  	[smem:$0x3FB9] =	sst s0;
	s0 =	simm.s32 @!p2 $0x0  }
0x16: {  	s3 =	sld [smem:$0x3FDB];
	s0 =	simm.s32 @p2 $0x1  }
0x17: {  	s4 =	simm.s32 $0x1BF5;
	[smem:$0x3FBB] =	sst s0  }
0x18: {  	s0 =	sld [smem:$0x3F9E];
	_ =	swait.ge [sflag:s4], $0x0  }
0x19: {  	s7 =	sld [smem:$0x3F9F]  }
0x1a: {  	s8 =	sadd.s32 $0xFFFFE003, lr  }
0x1b: {  	s9 =	sadd.s32 $0xFFFFFEF7, lr;
	s5 =	simm.s32 $0xFFFFFFFF;
	p2 =	slt.u32 s8, $0xFFFFF086  }
0x1c: {  	p1 =	slt.u32 s9, $0xF7A;
	s5 =	simm.s32 @!p2 $0x0  }
0x1d: {  	s5 =	simm.s32 @p1 $0x1;
	p0 =	seq.s32 s7, s2  }
0x1e: {  	s7 =	smul.u32 @!p0 $0xF7A, s2;
	p2 =	seq.s32 @!p0 s5, $0x0  }
0x1f: {  	s9 =	smul.u32 $0xF7A, s1;
	s8 =	simm.s32 @!p0 $0x1BF5;
	p2 =	por !p2, p0  }
0x20: {  	[sflag:s8] =	ssyncset.s32 @!p0 $0xFFFFF086;
	s6 =	sadd.s32 @!p0 s3, s7;
	s7 =	simm.s32 @!p0 $0x108  }
0x21: {  	s3 =	sadd.s32 s3, s9;
	s6 =	sadd.s32 @!p0 $0x88, s6;
	s7 =	simm.s32 @p2 $0x1082  }
0x22: {  	[simem:s7], [sflag:s8] =	dma.local @!p0 [hbm:s6], $0xF7A  }
0x23: {  	s9 =	sor.u32 $0xD0000000, s2;
	s6 =	simm.s32 $0x108;
	_ =	swait.ge @!p0 [sflag:s8], $0x0  }
0x24: {  	s3 =	sadd.s32 $0x88, s3;
	s6 =	simm.s32 @!p1 $0x1082;
	[sflag:s4] =	ssyncset.s32 $0xFFFFF086  }
0x25: {  	[simem:s6], [sflag:s4] =	dma.local [hbm:s3], $0xF7A  }
0x26: {  	[smem:$0x3F9F] =	sst s1;
	(tag) =	ssettag s2;
	_ =	strace s9  }
0x27: {  	s1 =	sld [smem:$0x3FAF]  }
0x28: {  	s2 =	sld [smem:$0x3FB0]  }
0x29: {  	s4 =	sld [smem:$0x3FB2]  }
0x2a: {  	p0 =	seq.s32 s5, $0x0;
	s5 =	sld [smem:$0x3FB3]  }
0x2b: {  	s6 =	sld [smem:$0x3FB4]  }
0x2c: {  	s7 =	sld [smem:$0x3FB5]  }
0x2d: {  	s3 =	simm.s32 $0x108;
	s8 =	sld [smem:$0x3FB6]  }
0x2e: {  	s3 =	simm.s32 @!p0 $0x1082;
	s9 =	sld [smem:$0x3FB7]  }
0x2f: {  	lr =	sadd.s32 s0, s3;
	s0 =	sld [smem:$0x3FAE]  }
0x30: {  	s3 =	sld [smem:$0x3FB1]  }
0x31: {  	[smem:$0x3FBA] =	sst s10  }
0x32: {  	s10 =	sld [smem:$0x3FB8];
	_ =	sdelay $0x3  }
0x33: {  	p0 =	seq.s32 s10, $0x1;
	s10 =	sld [smem:$0x3FBA];
	_ =	sdelay $0x3  }
0x34: {  	[smem:$0x3FBA] =	sst s10  }
0x35: {  	s10 =	sld [smem:$0x3FB9];
	_ =	sdelay $0x3  }
0x36: {  	p1 =	seq.s32 s10, $0x1;
	s10 =	sld [smem:$0x3FBA];
	_ =	sdelay $0x3  }
0x37: {  	[smem:$0x3FBA] =	sst s10  }
0x38: {  	s10 =	sld [smem:$0x3FBB]  }
0x39: {  	_ = 	snop;
	(pc) =	sbr.ind lr, $3  }
0x3a: {  	_ = 	snop  }
0x3b: {  	_ = 	snop  }
0x3c: {  	p2 =	seq.s32 s10, $0x1;
	s10 =	sld [smem:$0x3FBA]  }
0x3d: {  	_ =	shalt  }
0x3e: {  	_ =	shalt  }
0x3f: {  	_ =	shalt  }
0x40: {  	_ =	shalt  }
0x41: {  	_ =	shalt  }
0x42: {  	_ =	shalt  }
0x43: {  	_ =	shalt  }
0x44: {  	_ =	shalt  }
0x45: {  	_ =	shalt  }
0x46: {  	_ =	shalt  }
0x47: {  	_ =	shalt  }
0x48: {  	_ =	shalt  }
0x49: {  	_ =	shalt  }
0x4a: {  	_ =	shalt  }
0x4b: {  	_ =	shalt  }
0x4c: {  	_ =	shalt  }
0x4d: {  	_ =	shalt  }
0x4e: {  	_ =	shalt  }
0x4f: {  	_ =	shalt  }
0x50: {  	_ =	shalt  }
0x51: {  	_ =	shalt  }
0x52: {  	_ =	shalt  }
0x53: {  	_ =	shalt  }
0x54: {  	_ =	shalt  }
0x55: {  	_ =	shalt  }
0x56: {  	_ =	shalt  }
0x57: {  	_ =	shalt  }
0x58: {  	_ =	shalt  }
0x59: {  	_ =	shalt  }
0x5a: {  	_ =	shalt  }
0x5b: {  	_ =	shalt  }
0x5c: {  	_ =	shalt  }
0x5d: {  	_ =	shalt  }
0x5e: {  	_ =	shalt  }
0x5f: {  	_ =	shalt  }
0x60: {  	_ =	shalt  }
0x61: {  	_ =	shalt  }
0x62: {  	_ =	shalt  }
0x63: {  	_ =	shalt  }
0x64: {  	_ =	shalt  }
0x65: {  	_ =	shalt  }
0x66: {  	_ =	shalt  }
0x67: {  	_ =	shalt  }
0x68: {  	_ =	shalt  }
0x69: {  	_ =	shalt  }
0x6a: {  	_ =	shalt  }
0x6b: {  	_ =	shalt  }
0x6c: {  	_ =	shalt  }
0x6d: {  	_ =	shalt  }
0x6e: {  	_ =	shalt  }
0x6f: {  	_ =	shalt  }
0x70: {  	_ =	shalt  }
0x71: {  	_ =	shalt  }
0x72: {  	_ =	shalt  }
0x73: {  	_ =	shalt  }
0x74: {  	_ =	shalt  }
0x75: {  	_ =	shalt  }
0x76: {  	_ =	shalt  }
0x77: {  	_ =	shalt  }
0x78: {  	_ =	shalt  }
0x79: {  	_ =	shalt  }
0x7a: {  	_ =	shalt  }
0x7b: {  	_ =	shalt  }
0x7c: {  	_ =	shalt  }
0x7d: {  	_ =	shalt  }
0x7e: {  	_ =	shalt  }
0x7f: {  	_ =	shalt  }
0x80: {  	_ =	shalt  }
0x81: {  	_ =	shalt  }
0x82: {  	_ =	shalt  }
0x83: {  	_ =	shalt  }
0x84: {  	_ =	shalt  }
0x85: {  	_ =	shalt  }
0x86: {  	_ =	shalt  }
0x87: {  	_ =	shalt  }
.Lfunc_end0:
.L_simem_size_0:
called_computation_lowered:
.L_overlay_start_0:
0x88: {  	s2 =	sld [smem:$0x3FD9]  }
0x89: {  	s3 =	sld [smem:$0x3FFE];
	_ =	sdelay $0x1  }
0x8a: {  	s1 =	srdreg.scid  }
0x8b: {  	s0 =	sand.u32 $0x1, s1  }
0x8c: {  	s18 =	sshll.u32 s0, $0xA;
	s2 =	sadd.s32 s3, s2  }
0x8d: {  	s2 =	sadd.s32 s2, s18  }
0x8e: {  	[smem:$0x3FC6] =	sst s2  }
0x8f: {  	_ = 	snop  }
0x90: {  	s2 =	sld [smem:$0x3FC9]  }
0x91: {  	s19 =	sld [smem:$0x3FC8]  }
0x92: {  	s4 =	sld [smem:$0x3FD0];
	(tm) =	ssettm $0x1  }
0x93: {  	s5 =	sld [smem:$0x3FFB];
	_ =	sdelay $0x3  }
0x94: {  	_ =	strace s5  }
0x95: {  	s5 =	sld [smem:$0x3FFC];
	_ =	sdelay $0x3  }
0x96: {  	_ =	strace s5  }
0x97: {  	s5 =	sld [smem:$0x3FFD];
	_ =	sdelay $0x3  }
0x98: {  	_ =	strace s5  }
0x99: {  	_ =	strace $0x8FFFFFFF  }
0x9a: {  	s20 =	sld [smem:$0x3FDB];
	_ =	sdelay $0x1  }
0x9b: {  	s6 =	simm.s32 $_scs_section_size  }
0x9c: {  	s7 =	simm.s32 $_size__tile_overlayer_lowered;
	s8 =	simm.s32 $_tile_overlayer_lowered  }
0x9d: {  	s23 =	simm.s32 $0x1BFF;
	s22 =	sshll.u32 s8, $0x1;
	s5 =	sadd.s32 s6, s20  }
0x9e: {  	s9 =	simm.s32 $0x0;
	s21 =	sshll.u32 s7, $0x1;
	s7 =	sadd.s32 s22, s5  }
0x9f: {  	[timem:s9], [sflag:s23] =	dma.local [hbm:s7], s21  }
0xa0: {  	_ =	swait.ge [sflag:s23], s21  }
0xa1: {  	s6 =	ssub.s32 $0x0, s21;
	[sflag:s23] =	ssyncset.done $0x0  }
0xa2: {  	[sflag:s23] =	ssyncadd.s32 s6;
	_ =	sdelay $0x1  }
0xa3: {  	s24 =	simm.s32 $0x1B8B  }
0xa4: {  	_ =	swait.ge [sflag:s24], $0x1  }
0xa5: {  	[sflag:s24] =	ssyncset.done $0x0  }
0xa6: {  	s25 =	simm.s32 $0x1B8E;
	[sflag:s24] =	ssyncadd.s32 $0xFFFFFFFF  }
0xa7: {  	s26 =	simm.s32 $execute0_lowered;
	[smem:$0x3FD2] =	sst s25  }
0xa8: {  	s6 =	sshll.u32 s26, $0x1;
	_ =	strace $0x80000046;
	[dreg:$0x1] =	wrdreg $0xFFFFFFFF  }
0xa9: {  	s28 =	simm.s32 $_size_execute0_lowered;
	s5 =	sadd.s32 s5, s6;
	[dreg:$0x0] =	wrdreg $0x0  }
0xaa: {  	s6 =	sshll.u32 s28, $0x1;
	[dreg:$0x2] =	wrdreg s5  }
0xab: {  	[dreg:$0x3] =	wrdreg s6  }
0xac: {  	[dreg:$0x4] =	wrdreg $0xC0  }
0xad: {  	_ =	task [dreg:s9], $0x5FFFF  }
0xae: {  	[dreg:$0x1] =	wrdreg $0xFFFFFFFF  }
0xaf: {  	[dreg:$0x0] =	wrdreg $0x60  }
0xb0: {  	[dreg:$0x2] =	wrdreg s2  }
0xb1: {  	[dreg:$0x3] =	wrdreg s19  }
0xb2: {  	[dreg:$0x4] =	wrdreg s4  }
0xb3: {  	[dreg:$0x5] =	wrdreg $0x9  }
0xb4: {  	_ =	task.clear_ibuf [dreg:s9], $0x6FFFF;
	_ =	strace $0x90000046  }
0xb5: {  	s29 =	simm.s32 $0x9;
	_ =	strace $0x80000048  }
0xb6: {  	_ =	swait.ge [sflag:s29], $0x1  }
0xb7: {  	[sflag:s29] =	ssyncadd.s32 $0xFFFFFFFF  }
0xb8: {  	_ =	strace $0x90000048  }
0xb9: {  	_ =	sfence  }
0xba: {  	s30 =	sld [smem:$0x0];
	_ =	sdelay $0x2  }
0xbb: {  	s31 =	sshll.u32 s1, $0xD;
	s1 =	sshrl.u32 s1, $0x2  }
0xbc: {  	s3 =	sand.u32 $0x4000, s31;
	s1 =	sadd.s32 s1, s30  }
0xbd: {  	s0 =	sor.u32 s3, s0;
	s1 =	sshll.u32 s1, $0x11  }
0xbe: {  	s0 =	sor.u32 s1, s0  }
0xbf: {  	s0 =	sadd.s32 $0x8F2B, s0  }
0xc0: {  	[sflag:s0] =	ssyncadd.remote.s32 $0x1  }
0xc1: {  	_ =	sfence.sel $0xFFFF  }
0xc2: {  	[dreg:$0x0] =	wrdreg $0xFFFFFFFF;
	(pc) =	sbr.abs _section_cstart, $3  }
0xc3: {  	[dreg:$0x1] =	wrdreg $0xFFFFFFFF  }
0xc4: {  	_ =	task.clear_ibuf [dreg:s9], $0x2FFFF;
	_ =	strace $0x9FFFFFFF  }
0xc5: {  	(tm) =	ssettm $0x7FFFFFFF  }
tec
execute0_lowered:
.L_overlay_start_1:
0x0: {  	(tag) =	ssettag $0x1  }
0x1: {  	s1 =	rddreg [dreg:$0x0]  }
0x2: {  	s2 =	rddreg [dreg:$0x1]  }
0x3: {  	s3 =	rddreg [dreg:$0x2]  }
0x4: {  	s4 =	srdreg.scid;
	s0 =	rddreg [dreg:$0x3]  }
0x5: {  	s5 =	simm.s32 $0x0;
	s10 =	simm.s32 $0x4000;
	s11 =	simm.s32 $0x8000  }
0x6: {  	s12 =	simm.s32 $0x0;
	s15 =	simm.s32 $0x0;
	s6 =	sand.u32 $0x1, s4  }
0x7: {  	[smem:$0x7FF] =	sst s5;
	s4 =	stileid.u32;
	s7 =	ssub.s32 $0x2, s6  }
0x8: {  	s9 =	sshll.u32 s4, $0x9;
	s6 =	sshll.u32 s6, $0x8;
	s8 =	sshrl.u32 s7, $0x1  }
0x9: {  	_ =	strace $0x80000047;
	s6 =	sor.u32 s6, s9;
	s8 =	ssub.s32 s7, s8  }
0xa: {  	s9 =	simm.s32 $0x1;
	s7 =	sand.u32 $0x700, s6;
	s8 =	smax.u32 s8, $0x1  }
.LBB2_1:
0xb: {  	s13 =	simm.s32 $0x0  }
.LBB2_2:
0xc: {  	s16 =	sshll.u32 s13, $0x4  }
0xd: {  	s14 =	sor.u32 s6, s16  }
0xe: {  	s14 =	sshll.u32 s14, $0x7  }
0xf: {  	s17 =	sadd.s32 s1, s14  }
0x10: {  	[tilespmem:s15], [sflag:$0x1] =	stream.linear.gather [hbm4b:s17+s15], $0x4000, $0x38;
	[tilespmem:$0xC000] =	vst v63  }
0x11: {  	s16 =	sadd.s32 s7, s16;
	_ =	swait.ge [sflag:s9], $0x4000  }
0x12: {  	s16 =	sshll.u32 s16, $0x7;
	[sflag:s9] =	ssyncset.done $0x0  }
0x13: {  	s16 =	sadd.s32 s2, s16;
	[sflag:s9] =	ssyncadd.s32 $0xFFFFC000  }
0x14: {  	[tilespmem:s10], [sflag:$0x1] =	stream.linear.gather [hbm4b:s16+s15], $0x4000, $0x38;
	[tilespmem:$0xC000] =	vst v63  }
0x15: {  	_ =	swait.ge [sflag:s9], $0x4000  }
0x16: {  	[sflag:s9] =	ssyncset.done $0x0  }
0x17: {  	s16 =	simm.s32 $0x0;
	[sflag:s9] =	ssyncadd.s32 $0xFFFFC000  }
.LBB2_3:
0x18: {  	s17 =	sshll.u32 s16, $0xA;
	s18 =	sshll.u32 s16, $0x7  }
0x19: {  	s17 =	sand.u32 $0x2000, s17;
	s18 =	sand.u32 $0x380, s18  }
0x1a: {  	s31 =	sand.u32 $0x1C00, s15;
	s17 =	sor.u32 s17, s18  }
0x1b: {  	s19 =	sand.u32 $0x70, s15;
	s18 =	sor.u32 s31, s17  }
0x1c: {  	s18 =	sor.u32 s19, s18  }
0x1d: {  	v0 =	vld [tilespmem:s18+$0x0]  }
0x1e: {  	v1 =	vld [tilespmem:s18+$0x4000]  }
0x1f: {  	s20 =	simm.s32 $0x80;
	s19 =	simm.s32 $0x10  }
.LBB2_4:
0x20: {  	s21 =	sand.u32 $0x70, s19;
	s22 =	sand.u32 $0x1C00, s20;
	p0 =	sne.s32 s19, $0x3F0  }
.Ltmp0:
0x21: {  	s19 =	sadd.s32 $0x10, s19;
	s22 =	sor.u32 s22, s17;
	(pc) =	sbr.rel @p0 .LBB2_4-.Ltmp0, $4  }
0x22: {  	s21 =	sor.u32 s21, s22  }
0x23: {  	v2 =	vadd.f32 v1, v0;
	v0 =	vld [tilespmem:s21+$0x0]  }
0x24: {  	v1 =	vld [tilespmem:s21+$0x4000]  }
0x25: {  	s20 =	sadd.s32 $0x80, s20;
	[tilespmem:s18+$0x8000] =	vst v2;
	s18 =	smov.u32 s21  }
0x26: {  	s16 =	sadd.s32 $0x1, s16  }
0x27: {  	p0 =	sne.s32 s16, $0x10  }
.Ltmp1:
0x28: {  	_ = 	snop;
	(pc) =	sbr.rel @p0 .LBB2_3-.Ltmp1, $3  }
0x29: {  	_ = 	snop  }
0x2a: {  	v0 =	vadd.f32 v1, v0;
	_ =	sdelay $0x1  }
0x2b: {  	[tilespmem:s18+$0x8000] =	vst v0  }
0x2c: {  	s13 =	sadd.s32 $0x1, s13  }
0x2d: {  	p0 =	sne.s32 s13, $0x10  }
.Ltmp2:
0x2e: {  	s14 =	sadd.s32 s3, s14;
	(pc) =	sbr.rel @p0 .LBB2_2-.Ltmp2, $4  }
0x2f: {  	[hbm4b:s14+s5] =	stream.linear.scatter [tilespmem:s11], [sflag:$0x1], $0x4000, $0x38;
	[tilespmem:$0xC000] =	vst v63  }
0x30: {  	_ =	swait.ge [sflag:s9], $0x4000  }
0x31: {  	[sflag:s9] =	ssyncset.done $0x0  }
0x32: {  	[sflag:s9] =	ssyncadd.s32 $0xFFFFC000  }
0x33: {  	s12 =	sadd.s32 $0x1, s12  }
0x34: {  	p0 =	sne.s32 s12, s8  }
.Ltmp3:
0x35: {  	_ = 	snop;
	(pc) =	sbr.rel @p0 .LBB2_1-.Ltmp3, $1  }
0x36: {  	_ =	sdelay $0x3  }
0x37: {  	_ =	sfence.sel $0x180000  }
0x38: {  	[bflag:$0x0] =	sbarrier.arrive $0xFFFF  }
0x39: {  	p0 =	sne.s32 s4, $0x0;
	_ =	strace $0x90000047  }
0x3a: {  	s0 =	sadd.s32 @!p0 $0x100000, s0;
	[bflag:$0x2] =	sbarrier.arrive $0xFFFF  }
0x3b: {  	[sflag:s0] =	ssyncadd.tile.s32 @!p0 $0x1;
	_ =	shalt  }
.Lfunc_end2:
_tile_overlayer_lowered:
.L_overlay_start_2:
0x3c: {  	(tag) =	ssettag $0x2  }
0x3d: {  	s0 =	rddreg [dreg:$0x0];
	s2 =	stileid.u32  }
0x3e: {  	s1 =	rddreg [dreg:$0x1];
	p0 =	sne.s32 s2, $0x0  }
0x3f: {  	s3 =	rddreg [dreg:$0x2];
	[bflag:$0x3] =	sbarrier.arrive $0xFFFF;
	s2 =	simm.s32 @!p0 $0x1C01  }
0x40: {  	[timem:s3], [sflag:s2] =	dma.local @!p0 [hbm:s0], s1  }
0x41: {  	s0 =	simm.s32 @!p0 $0x1  }
0x42: {  	_ =	swait.ge @!p0 [sflag:s0], s1  }
0x43: {  	s1 =	ssub.s32 @!p0 $0x0, s1;
	[sflag:s0] =	ssyncset.done @!p0 $0x0  }
0x44: {  	[sflag:s0] =	ssyncadd.s32 @!p0 s1  }
0x45: {  	[bflag:$0x3] =	sbarrier.arrive $0xFFFF  }
0x46: {  	_ =	shalt  }

</sc_bundles>
